<compile_context>
chip_gen: v7x
topology: tpu7x:2x2x1
jax: 0.10.2.dev20260603
libtpu: 0.0.44.dev20260713+nightly
codegen_flags: <defaults>
</compile_context>

<pallas_src>
import functools

import jax
import jax.numpy as jnp
from jax import lax
from jax.experimental import pallas as pl
from jax.experimental.pallas import tpu as pltpu
from jax.experimental.pallas import tpu_sc as plsc

EPS = 1e-5

N = 10000
E = 160000
NC, NS = 2, 16
NW = NC * NS
NPAD = 10240
RPS = NPAD // NS
EPW = E // NW
CH = 128
G = 3
GC = G * CH
NG = EPW // GC
TAIL = EPW - NG * GC
GA = 2
GCA = GA * CH
NGA = EPW // GCA
ATAIL = EPW - NGA * GCA

def _mesh():
    return plsc.VectorSubcoreMesh(core_axis_name="c", subcore_axis_name="s",
                                  num_cores=NC, num_subcores=NS)



@jax.jit
def _sc_degree(dst, onehot, zeros128):

    @functools.partial(
        pl.kernel,
        out_type=jax.ShapeDtypeStruct((NC, NPAD, 128), jnp.float32),
        mesh=_mesh(),
        scratch_types=[
            pltpu.VMEM_SHARED((NPAD, 128), jnp.float32),
            pltpu.VMEM((G, CH), jnp.int32),
            pltpu.VMEM((1, TAIL), jnp.int32),
            pltpu.VMEM((CH, 128), jnp.float32),
            pltpu.SemaphoreType.DMA,
        ],
    )
    def deg_kernel(dst_hbm, oh_hbm, z_hbm, out_hbm, acc_sh, idx_v, idxt_v, oh_v,
                   sem):
        c = lax.axis_index("c")
        s = lax.axis_index("s")
        wid = s * NC + c
        base = wid * EPW
        pltpu.sync_copy(z_hbm, acc_sh.at[pl.ds(s * RPS, RPS)])
        pltpu.sync_copy(oh_hbm, oh_v)
        plsc.subcore_barrier()

        @pl.loop(0, NG)
        def _(g):
            off = base + g * GC
            for j in range(G):
                pltpu.sync_copy(dst_hbm.at[pl.ds(off + j * CH, CH)], idx_v.at[j])
            hs = [pltpu.async_copy(oh_v, acc_sh.at[idx_v.at[j]], sem, add=True)
                  for j in range(G)]
            for h in hs:
                h.wait()

        pltpu.sync_copy(dst_hbm.at[pl.ds(base + NG * GC, TAIL)], idxt_v.at[0])
        pltpu.sync_copy(oh_v.at[pl.ds(0, TAIL)], acc_sh.at[idxt_v.at[0]], add=True)

        plsc.subcore_barrier()
        pltpu.sync_copy(acc_sh.at[pl.ds(s * RPS, RPS)],
                        out_hbm.at[c, pl.ds(s * RPS, RPS)])

    return deg_kernel(dst, onehot, zeros128)


@jax.jit
def _sc_aggregate(hp, src, dst, zeros128):

    @functools.partial(
        pl.kernel,
        out_type=jax.ShapeDtypeStruct((NC, NPAD, 128), jnp.float32),
        mesh=_mesh(),
        scratch_types=[
            pltpu.VMEM_SHARED((NPAD, 128), jnp.float32),
            pltpu.VMEM((GCA,), jnp.int32),
            pltpu.VMEM((GA + 1, CH), jnp.int32),
            pltpu.VMEM((1, TAIL), jnp.int32),
            pltpu.VMEM((1, TAIL), jnp.int32),
            pltpu.VMEM((GCA, 128), jnp.float32),
            pltpu.VMEM((TAIL, 128), jnp.float32),
            pltpu.SemaphoreType.DMA,
            pltpu.SemaphoreType.DMA,
        ],
    )
    def agg_kernel(hp_hbm, src_hbm, dst_hbm, z_hbm, out_hbm,
                   acc_sh, si_v, di_v, sit_v, dit_v, rows_v, rowst_v,
                   sem_g, sem_s):
        c = lax.axis_index("c")
        s = lax.axis_index("s")
        wid = s * NC + c
        base = wid * EPW
        pltpu.sync_copy(z_hbm, acc_sh.at[pl.ds(s * RPS, RPS)])
        plsc.subcore_barrier()

        @pl.loop(0, NGA)
        def _(g):
            off = base + g * GCA
            pltpu.sync_copy(src_hbm.at[pl.ds(off, GCA)], si_v)
            for j in range(GA):
                pltpu.sync_copy(dst_hbm.at[pl.ds(off + j * CH, CH)], di_v.at[j])
            hs = [pltpu.async_copy(hp_hbm.at[si_v.at[pl.ds(j * CH, CH)]],
                                   rows_v.at[pl.ds(j * CH, CH)], sem_g)
                  for j in range(GA)]
            for h in hs:
                h.wait()
            ss = [pltpu.async_copy(rows_v.at[pl.ds(j * CH, CH)],
                                   acc_sh.at[di_v.at[j]], sem_s, add=True)
                  for j in range(GA)]
            for h in ss:
                h.wait()

        t0 = base + NGA * GCA
        pltpu.sync_copy(src_hbm.at[pl.ds(t0, CH)], si_v.at[pl.ds(0, CH)])
        pltpu.sync_copy(dst_hbm.at[pl.ds(t0, CH)], di_v.at[GA])
        pltpu.async_copy(hp_hbm.at[si_v.at[pl.ds(0, CH)]],
                         rows_v.at[pl.ds(0, CH)], sem_g).wait()
        pltpu.sync_copy(rows_v.at[pl.ds(0, CH)], acc_sh.at[di_v.at[GA]],
                        add=True)
        t1 = t0 + CH
        pltpu.sync_copy(src_hbm.at[pl.ds(t1, TAIL)], sit_v.at[0])
        pltpu.sync_copy(dst_hbm.at[pl.ds(t1, TAIL)], dit_v.at[0])
        pltpu.async_copy(hp_hbm.at[sit_v.at[0]], rowst_v, sem_g).wait()
        pltpu.sync_copy(rowst_v, acc_sh.at[dit_v.at[0]], add=True)

        plsc.subcore_barrier()
        pltpu.sync_copy(acc_sh.at[pl.ds(s * RPS, RPS)],
                        out_hbm.at[c, pl.ds(s * RPS, RPS)])

    return agg_kernel(hp, src, dst, zeros128)


KCH = 4
EC = E // KCH
EPWC = 1248
NGC = EPWC // GC
TAILC = EPWC - NGC * GC
EXTRA = EC - NW * EPWC


@jax.jit
def _sc_edge_gather(h, src, dst):

    @functools.partial(
        pl.kernel,
        out_type=(jax.ShapeDtypeStruct((EC, 128), jnp.float32),
                  jax.ShapeDtypeStruct((EC, 128), jnp.float32)),
        mesh=_mesh(),
        scratch_types=[
            pltpu.VMEM((GC,), jnp.int32),
            pltpu.VMEM((GC,), jnp.int32),
            pltpu.VMEM((TAILC,), jnp.int32),
            pltpu.VMEM((TAILC,), jnp.int32),
            pltpu.VMEM((GC, 128), jnp.float32),
            pltpu.VMEM((GC, 128), jnp.float32),
            pltpu.VMEM((TAILC, 128), jnp.float32),
            pltpu.VMEM((TAILC, 128), jnp.float32),
            pltpu.SemaphoreType.DMA,
            pltpu.SemaphoreType.DMA,
            pltpu.SemaphoreType.DMA,
            pltpu.SemaphoreType.DMA,
        ],
    )
    def gather_kernel(h_hbm, src_hbm, dst_hbm, gs_hbm, gd_hbm,
                      si_v, di_v, sit_v, dit_v, rs_v, rd_v, rst_v, rdt_v,
                      sem0, sem1, sem2, sem3):
        c = lax.axis_index("c")
        s = lax.axis_index("s")
        wid = s * NC + c
        base = wid * EPWC

        @pl.loop(0, NGC)
        def _(g):
            off = base + g * GC
            pltpu.sync_copy(src_hbm.at[pl.ds(off, GC)], si_v)
            pltpu.sync_copy(dst_hbm.at[pl.ds(off, GC)], di_v)
            hs = [pltpu.async_copy(h_hbm.at[si_v.at[pl.ds(j * CH, CH)]],
                                   rs_v.at[pl.ds(j * CH, CH)], sem0)
                  for j in range(G)]
            hd = [pltpu.async_copy(h_hbm.at[di_v.at[pl.ds(j * CH, CH)]],
                                   rd_v.at[pl.ds(j * CH, CH)], sem1)
                  for j in range(G)]
            for h in hs:
                h.wait()
            ws = pltpu.async_copy(rs_v, gs_hbm.at[pl.ds(off, GC)], sem2)
            for h in hd:
                h.wait()
            wd = pltpu.async_copy(rd_v, gd_hbm.at[pl.ds(off, GC)], sem3)
            ws.wait()
            wd.wait()

        t0 = base + NGC * GC
        pltpu.sync_copy(src_hbm.at[pl.ds(t0, TAILC)], sit_v)
        pltpu.sync_copy(dst_hbm.at[pl.ds(t0, TAILC)], dit_v)
        cs = pltpu.async_copy(h_hbm.at[sit_v], rst_v, sem0)
        cd = pltpu.async_copy(h_hbm.at[dit_v], rdt_v, sem1)
        cs.wait()
        pltpu.sync_copy(rst_v, gs_hbm.at[pl.ds(t0, TAILC)])
        cd.wait()
        pltpu.sync_copy(rdt_v, gd_hbm.at[pl.ds(t0, TAILC)])

        @pl.when(jnp.logical_and(c == NC - 1, s == NS - 1))
        def _():
            x0 = NW * EPWC
            pltpu.sync_copy(src_hbm.at[pl.ds(x0, EXTRA)],
                            sit_v.at[pl.ds(0, EXTRA)])
            pltpu.sync_copy(dst_hbm.at[pl.ds(x0, EXTRA)],
                            dit_v.at[pl.ds(0, EXTRA)])
            xs = pltpu.async_copy(h_hbm.at[sit_v.at[pl.ds(0, EXTRA)]],
                                  rst_v.at[pl.ds(0, EXTRA)], sem0)
            xd = pltpu.async_copy(h_hbm.at[dit_v.at[pl.ds(0, EXTRA)]],
                                  rdt_v.at[pl.ds(0, EXTRA)], sem1)
            xs.wait()
            pltpu.sync_copy(rst_v.at[pl.ds(0, EXTRA)],
                            gs_hbm.at[pl.ds(x0, EXTRA)])
            xd.wait()
            pltpu.sync_copy(rdt_v.at[pl.ds(0, EXTRA)],
                            gd_hbm.at[pl.ds(x0, EXTRA)])

    return gather_kernel(h, src, dst)



def _node_a_body(x_ref, w0t_ref, degp_ref, hp_ref, dinv_ref):
    deg = degp_ref[0, 0:N, 0:1] + degp_ref[1, 0:N, 0:1] + 1.0
    dinv = lax.rsqrt(jnp.maximum(deg, 1e-12))
    dinv_ref[...] = dinv
    h = jnp.dot(x_ref[...], w0t_ref[...], preferred_element_type=jnp.float32)
    hp_ref[...] = dinv * h


def _tc_node_a(x, w0t, degp):
    return pl.pallas_call(
        _node_a_body,
        out_shape=(jax.ShapeDtypeStruct((N, 128), jnp.float32),
                   jax.ShapeDtypeStruct((N, 1), jnp.float32)),
    )(x, w0t, degp)


def _node_b_body(accp_ref, hp_ref, dinv_ref, b0_ref, w1_ref, b1_ref, w2t_ref,
                 x1_ref, hp2_ref):
    acc = accp_ref[0, 0:N, :] + accp_ref[1, 0:N, :]
    dinv = dinv_ref[...]
    conv1 = dinv * (acc + hp_ref[...]) + b0_ref[...]
    m = jnp.mean(conv1, axis=0, keepdims=True)
    v = jnp.mean((conv1 - m) * (conv1 - m), axis=0, keepdims=True)
    x1 = jnp.maximum((conv1 - m) * lax.rsqrt(v + EPS) * w1_ref[...]
                     + b1_ref[...], 0.0)
    x1_ref[...] = x1
    h2 = jnp.dot(x1, w2t_ref[...], preferred_element_type=jnp.float32)
    hp2_ref[...] = dinv * h2


def _tc_node_b(accp, hp, dinv, b0, w1, b1, w2t):
    return pl.pallas_call(
        _node_b_body,
        out_shape=(jax.ShapeDtypeStruct((N, 128), jnp.float32),
                   jax.ShapeDtypeStruct((N, 128), jnp.float32)),
    )(accp, hp, dinv, b0, w1, b1, w2t)


def _node_c_body(accp_ref, hp2_ref, dinv_ref, b2_ref, w3_ref, b3_ref, x1_ref,
                 h_ref):
    acc = accp_ref[0, 0:N, :] + accp_ref[1, 0:N, :]
    conv2 = dinv_ref[...] * (acc + hp2_ref[...]) + b2_ref[...]
    m = jnp.mean(conv2, axis=0, keepdims=True)
    v = jnp.mean((conv2 - m) * (conv2 - m), axis=0, keepdims=True)
    bn = (conv2 - m) * lax.rsqrt(v + EPS) * w3_ref[...] + b3_ref[...]
    h_ref[...] = jnp.maximum(bn + x1_ref[...], 0.0)


def _tc_node_c(accp, hp2, dinv, b2, w3, b3, x1):
    return pl.pallas_call(
        _node_c_body,
        out_shape=jax.ShapeDtypeStruct((N, 128), jnp.float32),
    )(accp, hp2, dinv, b2, w3, b3, x1)


BE = 2000
NEBC = EC // BE


def _mlp1_body(gs_ref, gd_ref, w4a_ref, w4b_ref, b4_ref, t1_ref, st_ref):
    gs = gs_ref[...].astype(jnp.bfloat16)
    gd = gd_ref[...].astype(jnp.bfloat16)
    t1 = (jnp.dot(gs, w4a_ref[...], preferred_element_type=jnp.float32)
          + jnp.dot(gd, w4b_ref[...], preferred_element_type=jnp.float32)
          + b4_ref[...])
    t1_ref[...] = t1.astype(jnp.bfloat16)

    @pl.when(pl.program_id(0) == 0)
    def _():
        st_ref[...] = jnp.zeros_like(st_ref)

    st_ref[0:1, :] += jnp.sum(t1, axis=0, keepdims=True)
    st_ref[1:2, :] += jnp.sum(t1 * t1, axis=0, keepdims=True)


def _tc_mlp1(gs, gd, w4at, w4bt, b4):
    return pl.pallas_call(
        _mlp1_body,
        grid=(NEBC,),
        in_specs=[
            pl.BlockSpec((BE, 128), lambda i: (i, 0)),
            pl.BlockSpec((BE, 128), lambda i: (i, 0)),
            pl.BlockSpec((128, 256), lambda i: (0, 0)),
            pl.BlockSpec((128, 256), lambda i: (0, 0)),
            pl.BlockSpec((1, 256), lambda i: (0, 0)),
        ],
        out_specs=(pl.BlockSpec((BE, 256), lambda i: (i, 0)),
                   pl.BlockSpec((8, 256), lambda i: (0, 0))),
        out_shape=(jax.ShapeDtypeStruct((EC, 256), jnp.bfloat16),
                   jax.ShapeDtypeStruct((8, 256), jnp.float32)),
    )(gs, gd, w4at, w4bt, b4)


def _bn_coeffs(st_ref, w_ref, b_ref):
    ssum = st_ref[0:1, :]
    ssq = st_ref[1:2, :]
    for k in range(1, KCH):
        ssum = ssum + st_ref[8 * k:8 * k + 1, :]
        ssq = ssq + st_ref[8 * k + 1:8 * k + 2, :]
    m = ssum * (1.0 / E)
    msq = ssq * (1.0 / E)
    v = msq - m * m
    scale = w_ref[...] * lax.rsqrt(v + EPS)
    shift = b_ref[...] - m * scale
    return scale, shift


def _mlp2_body(t1_ref, st1_ref, w5_ref, b5_ref, w6t_ref, b6_ref,
               t2_ref, st2_ref):
    scale, shift = _bn_coeffs(st1_ref, w5_ref, b5_ref)
    y = jnp.maximum(t1_ref[...].astype(jnp.float32) * scale + shift, 0.0)
    t2 = (jnp.dot(y.astype(jnp.bfloat16), w6t_ref[...],
                  preferred_element_type=jnp.float32) + b6_ref[...])
    t2_ref[...] = t2.astype(jnp.bfloat16)

    @pl.when(pl.program_id(0) == 0)
    def _():
        st2_ref[...] = jnp.zeros_like(st2_ref)

    st2_ref[0:1, :] += jnp.sum(t2, axis=0, keepdims=True)
    st2_ref[1:2, :] += jnp.sum(t2 * t2, axis=0, keepdims=True)


def _tc_mlp2(t1, st1, w5, b5, w6t, b6):
    return pl.pallas_call(
        _mlp2_body,
        grid=(NEBC,),
        in_specs=[
            pl.BlockSpec((BE, 256), lambda i: (i, 0)),
            pl.BlockSpec((8 * KCH, 256), lambda i: (0, 0)),
            pl.BlockSpec((1, 256), lambda i: (0, 0)),
            pl.BlockSpec((1, 256), lambda i: (0, 0)),
            pl.BlockSpec((256, 256), lambda i: (0, 0)),
            pl.BlockSpec((1, 256), lambda i: (0, 0)),
        ],
        out_specs=(pl.BlockSpec((BE, 256), lambda i: (i, 0)),
                   pl.BlockSpec((8, 256), lambda i: (0, 0))),
        out_shape=(jax.ShapeDtypeStruct((EC, 256), jnp.bfloat16),
                   jax.ShapeDtypeStruct((8, 256), jnp.float32)),
    )(t1, st1, w5, b5, w6t, b6)


def _mlp3_body(t2_ref, st2_ref, w7_ref, b7_ref, w8t_ref, b8_ref, out_ref):
    scale, shift = _bn_coeffs(st2_ref, w7_ref, b7_ref)
    y = jnp.maximum(t2_ref[...].astype(jnp.float32) * scale + shift, 0.0)
    out_ref[...] = (jnp.dot(y.astype(jnp.bfloat16), w8t_ref[...],
                            preferred_element_type=jnp.float32) + b8_ref[...])


def _mlp3_body_alias(t2_ref, st2_ref, w7_ref, b7_ref, w8t_ref, b8_ref,
                     prev_ref, out_ref):
    del prev_ref
    _mlp3_body(t2_ref, st2_ref, w7_ref, b7_ref, w8t_ref, b8_ref, out_ref)


def _tc_mlp3(t2, st2, w7, b7, w8t, b8, coff, prev):
    in_specs = [
        pl.BlockSpec((BE, 256), lambda i: (i, 0)),
        pl.BlockSpec((8 * KCH, 256), lambda i: (0, 0)),
        pl.BlockSpec((1, 256), lambda i: (0, 0)),
        pl.BlockSpec((1, 256), lambda i: (0, 0)),
        pl.BlockSpec((256, 128), lambda i: (0, 0)),
        pl.BlockSpec((1, 128), lambda i: (0, 0)),
    ]
    ins = [t2, st2, w7, b7, w8t, b8]
    body = _mlp3_body
    kwargs = {}
    if prev is not None:
        in_specs.append(pl.BlockSpec(memory_space=pl.ANY))
        ins.append(prev)
        body = _mlp3_body_alias
        kwargs = dict(input_output_aliases={6: 0})
    return pl.pallas_call(
        body,
        grid=(NEBC,),
        in_specs=in_specs,
        out_specs=pl.BlockSpec((BE, 128), lambda i: (i + coff, 0)),
        out_shape=jax.ShapeDtypeStruct((E, 128), jnp.float32),
        **kwargs,
    )(*ins)



def kernel(x, edge_index, w0, b0, w1, b1, w2, b2, w3, b3, w4, b4, w5, b5,
           w6, b6, w7, b7, w8, b8):
    src = edge_index[0].astype(jnp.int32)
    dst = edge_index[1].astype(jnp.int32)

    onehot = jnp.tile(
        (jnp.arange(128, dtype=jnp.int32) == 0).astype(jnp.float32)[None, :],
        (CH, 1))
    zeros128 = jnp.zeros((RPS, 128), jnp.float32)

    row = lambda a: a.reshape(1, -1)

    degp = _sc_degree(dst, onehot, zeros128)
    hp1, dinv = _tc_node_a(x, w0.T, degp)
    accp1 = _sc_aggregate(hp1, src, dst, zeros128)
    x1, hp2 = _tc_node_b(accp1, hp1, dinv, row(b0), row(w1), row(b1), w2.T)
    accp2 = _sc_aggregate(hp2, src, dst, zeros128)
    hfin = _tc_node_c(accp2, hp2, dinv, row(b2), row(w3), row(b3), x1)
    w4a, w4b = w4[:, :128], w4[:, 128:]
    bf = lambda a: a.astype(jnp.bfloat16)
    w4at, w4bt, b4r = bf(w4a.T), bf(w4b.T), row(b4)

    gathered = [_sc_edge_gather(hfin, src[c * EC:(c + 1) * EC],
                                dst[c * EC:(c + 1) * EC])
                for c in range(KCH)]
    t1s, st1s = [], []
    for gs_c, gd_c in gathered:
        t1_c, st1_c = _tc_mlp1(gs_c, gd_c, w4at, w4bt, b4r)
        t1s.append(t1_c)
        st1s.append(st1_c)
    st1 = jnp.concatenate(st1s, axis=0)
    t2s, st2s = [], []
    for t1_c in t1s:
        t2_c, st2_c = _tc_mlp2(t1_c, st1, row(w5), row(b5), bf(w6.T), row(b6))
        t2s.append(t2_c)
        st2s.append(st2_c)
    st2 = jnp.concatenate(st2s, axis=0)
    out = None
    for c, t2_c in enumerate(t2s):
        out = _tc_mlp3(t2_c, st2, row(w7), row(b7), bf(w8.T), row(b8),
                       c * NEBC, out)
    return out

# --- scband reference (transcript-rebuilt; emitter-appended) ---
"""Pipeline reference for scband-mymodel-89051851915811 (READ-ONLY COPY).

The authoritative reference and input builder live on the scoring server;
editing this copy changes nothing except your own understanding.
"""

import jax, jax.numpy as jnp
import numpy as np

EPS = 1e-5

def _gcn_conv(x, edge_index, w, b):
    n = x.shape[0]
    src = edge_index[0]
    dst = edge_index[1]
    loop = jnp.arange(n, dtype=edge_index.dtype)
    src = jnp.concatenate([src, loop])
    dst = jnp.concatenate([dst, loop])
    deg = jnp.zeros((n,), jnp.float32).at[dst].add(1.0)
    dinv = jax.lax.rsqrt(jnp.maximum(deg, 1e-12))
    norm = dinv[src] * dinv[dst]
    h = x @ w.T
    msg = h[src] * norm[:, None]
    out = jnp.zeros((n, h.shape[1]), h.dtype).at[dst].add(msg)
    return out + b

def _bn(x, weight, bias):
    m = jnp.mean(x, axis=0)
    v = jnp.var(x, axis=0)
    return (x - m) / jnp.sqrt(v + EPS) * weight + bias

def setup_inputs(seed: int = 0) -> dict:
    key = jax.random.key(seed)
    ks = jax.random.split(key, 16)
    N, E = 10000, 160000
    di, dh, de, do = 128, 128, 256, 128
    x = jax.random.normal(ks[0], (N, di), jnp.float32)
    edge_index = jax.random.randint(ks[1], (2, E), 0, N, jnp.int64)
    def kaiming(k, shape):
        fan_in = shape[1]
        return jax.random.normal(k, shape, jnp.float32) * np.sqrt(2.0 / fan_in)
    return {
        'x': x,
        'edge_index': edge_index,
        'w0': kaiming(ks[2], (dh, di)), 'b0': jnp.zeros((dh,), jnp.float32),
        'w1': jnp.ones((dh,), jnp.float32), 'b1': jnp.zeros((dh,), jnp.float32),
        'w2': kaiming(ks[3], (dh, dh)), 'b2': jnp.zeros((dh,), jnp.float32),
        'w3': jnp.ones((dh,), jnp.float32), 'b3': jnp.zeros((dh,), jnp.float32),
        'w4': kaiming(ks[4], (de, de)), 'b4': jnp.zeros((de,), jnp.float32),
        'w5': jnp.ones((de,), jnp.float32), 'b5': jnp.zeros((de,), jnp.float32),
        'w6': kaiming(ks[5], (de, de)), 'b6': jnp.zeros((de,), jnp.float32),
        'w7': jnp.ones((de,), jnp.float32), 'b7': jnp.zeros((de,), jnp.float32),
        'w8': kaiming(ks[6], (do, de)), 'b8': jnp.zeros((do,), jnp.float32),
    }

def reference(x, edge_index, w0, b0, w1, b1, w2, b2, w3, b3, w4, b4, w5, b5, w6, b6, w7, b7, w8, b8):
    h = _gcn_conv(x, edge_index, w0, b0)
    h = _bn(h, w1, b1)
    x1 = jax.nn.relu(h)
    h = _gcn_conv(x1, edge_index, w2, b2)
    h = _bn(h, w3, b3)
    h = jax.nn.relu(h + x1)
    edge_src = h[edge_index[0]]
    edge_dst = h[edge_index[1]]
    ef = jnp.concatenate([edge_src, edge_dst], axis=1)
    ef = ef @ w4.T + b4
    ef = _bn(ef, w5, b5)
    ef = jax.nn.relu(ef)
    ef = ef @ w6.T + b6
    ef = _bn(ef, w7, b7)
    ef = jax.nn.relu(ef)
    rel_pre = ef @ w8.T + b8
    return rel_pre

if __name__ == "__main__":
    import jax
    _d = setup_inputs()
    print(jax.jit(kernel)(*tuple(_d.values())))

</pallas_src>

<mosaic_0001>
#map = affine_map<(d0, d1) -> (0)>
#map1 = affine_map<(d0, d1) -> (0, 0)>
#map2 = affine_map<(d0, d1) -> (0, 0, 0)>
module attributes {stable_mosaic.version = 14 : i64} {
  func.func @deg_kernel(%arg0: i32, %arg1: i32, %arg2: memref<160000xi32, #tpu.memory_space<hbm>>, %arg3: memref<128x128xf32, #tpu.memory_space<hbm>>, %arg4: memref<640x128xf32, #tpu.memory_space<hbm>>, %arg5: memref<2x10240x128xf32, #tpu.memory_space<hbm>>, %arg6: memref<10240x128xf32, #tpu.memory_space<vmem_shared>>, %arg7: memref<3x128xi32, #tpu.memory_space<vmem>>, %arg8: memref<1x8xi32, #tpu.memory_space<vmem>>, %arg9: memref<128x128xf32, #tpu.memory_space<vmem>>, %arg10: memref<!tpu.dma_semaphore, #tpu.memory_space<semaphore_mem>>) attributes {dimension_semantics = [#tpu.dimension_semantics<core_parallel>, #tpu.dimension_semantics<subcore_parallel>], iteration_bounds = array<i64: 2, 16>, scalar_prefetch = 0 : i64, scratch_operands = 5 : i64, tpu.core_type = #tpu.core_type<sc_vector_subcore>, window_params = [{transform_indices = #map}, {transform_indices = #map1}, {transform_indices = #map1}, {transform_indices = #map2}]} {
    %mul3A = arith.constant 2 : i32
    %mul3A_0 = arith.muli %arg1, %mul3A : i32
    %add3A = arith.addi %mul3A_0, %arg0 : i32
    %mul3A_1 = arith.constant 5000 : i32
    %mul3A_2 = arith.muli %add3A, %mul3A_1 : i32
    %mul3A_3 = arith.constant 640 : i32
    %mul3A_4 = arith.muli %arg1, %mul3A_3 : i32
    "tpu.region"() ({
      %run_scoped3A_17 = tpu.sem_alloc : memref<!tpu.dma_semaphore, #tpu.memory_space<semaphore_mem>>
      %dma_start3A = arith.constant 0 : i32
      %dma_start3A_18 = tpu.memref_slice %arg6[%mul3A_4, %dma_start3A] : memref<10240x128xf32, #tpu.memory_space<vmem_shared>> -> memref<640x128xf32, #tpu.memory_space<vmem_shared>>
      tpu.enqueue_dma source(%arg4 : memref<640x128xf32, #tpu.memory_space<hbm>>) target(%dma_start3A_18 : memref<640x128xf32, #tpu.memory_space<vmem_shared>>) target_semaphore(%run_scoped3A_17 : memref<!tpu.dma_semaphore, #tpu.memory_space<semaphore_mem>>)
      %dma_wait3A = arith.constant 0 : i32
      %dma_wait3A_19 = tpu.memref_slice %arg6[%mul3A_4, %dma_wait3A] : memref<10240x128xf32, #tpu.memory_space<vmem_shared>> -> memref<640x128xf32, #tpu.memory_space<vmem_shared>>
      tpu.wait_dma2 semaphore(%run_scoped3A_17 : memref<!tpu.dma_semaphore, #tpu.memory_space<semaphore_mem>>) src(%arg4 : memref<640x128xf32, #tpu.memory_space<hbm>>) dst(%dma_wait3A_19 : memref<640x128xf32, #tpu.memory_space<vmem_shared>>)
      tpu.yield
    }) : () -> ()
    "tpu.region"() ({
      %run_scoped3A_17 = tpu.sem_alloc : memref<!tpu.dma_semaphore, #tpu.memory_space<semaphore_mem>>
      tpu.enqueue_dma source(%arg3 : memref<128x128xf32, #tpu.memory_space<hbm>>) target(%arg9 : memref<128x128xf32, #tpu.memory_space<vmem>>) target_semaphore(%run_scoped3A_17 : memref<!tpu.dma_semaphore, #tpu.memory_space<semaphore_mem>>)
      tpu.wait_dma2 semaphore(%run_scoped3A_17 : memref<!tpu.dma_semaphore, #tpu.memory_space<semaphore_mem>>) src(%arg3 : memref<128x128xf32, #tpu.memory_space<hbm>>) dst(%arg9 : memref<128x128xf32, #tpu.memory_space<vmem>>)
      tpu.yield
    }) : () -> ()
    %barrier3A = arith.constant 0 : index
    tpu.barrier barrier_id(%barrier3A)
    %scan3A = arith.constant 0 : i32
    %scan3A_5 = arith.constant 13 : i32
    %scan3A_6 = arith.addi %scan3A, %scan3A_5 : i32
    %scan3A_7 = arith.constant 1 : i32
    scf.for %scan3A_17 = %scan3A to %scan3A_6 step %scan3A_7  : i32 {
      %mul3A_18 = arith.constant 1 : i32
      %mul3A_19 = arith.muli %scan3A_17, %mul3A_18 : i32
      %add3A_20 = arith.constant 0 : i32
      %add3A_21 = arith.addi %add3A_20, %mul3A_19 : i32
      %mul3A_22 = arith.constant 384 : i32
      %mul3A_23 = arith.muli %add3A_21, %mul3A_22 : i32
      %add3A_24 = arith.addi %mul3A_2, %mul3A_23 : i32
      %add3A_25 = arith.constant 0 : i32
      %add3A_26 = arith.addi %add3A_24, %add3A_25 : i32
      %run_scoped3A_27 = arith.constant 0 : i32
      "tpu.region"() ({
        %run_scoped3A_74 = tpu.sem_alloc : memref<!tpu.dma_semaphore, #tpu.memory_space<semaphore_mem>>
        %dma_start3A_75 = arith.constant 0 : i32
        %dma_start3A_76 = tpu.memref_slice %arg7[%run_scoped3A_27, %dma_start3A_75] : memref<3x128xi32, #tpu.memory_space<vmem>> -> memref<1x128xi32, #tpu.memory_space<vmem>>
        %dma_start3A_77 = tpu.memref_squeeze %dma_start3A_76 : memref<1x128xi32, #tpu.memory_space<vmem>> -> memref<128xi32, #tpu.memory_space<vmem>>
        %dma_start3A_78 = tpu.memref_slice %arg2[%add3A_26] : memref<160000xi32, #tpu.memory_space<hbm>> -> memref<128xi32, #tpu.memory_space<hbm>>
        %dma_start3A_79 = arith.constant 0 : i32
        %dma_start3A_80 = tpu.memref_slice %arg7[%run_scoped3A_27, %dma_start3A_79] : memref<3x128xi32, #tpu.memory_space<vmem>> -> memref<1x128xi32, #tpu.memory_space<vmem>>
        %dma_start3A_81 = tpu.memref_squeeze %dma_start3A_80 : memref<1x128xi32, #tpu.memory_space<vmem>> -> memref<128xi32, #tpu.memory_space<vmem>>
        %dma_start3A_82 = tpu.memref_slice %arg2[%add3A_26] : memref<160000xi32, #tpu.memory_space<hbm>> -> memref<128xi32, #tpu.memory_space<hbm>>
        tpu.enqueue_dma source(%dma_start3A_82 : memref<128xi32, #tpu.memory_space<hbm>>) target(%dma_start3A_81 : memref<128xi32, #tpu.memory_space<vmem>>) target_semaphore(%run_scoped3A_74 : memref<!tpu.dma_semaphore, #tpu.memory_space<semaphore_mem>>)
        %dma_wait3A_83 = arith.constant 0 : i32
        %dma_wait3A_84 = tpu.memref_slice %arg7[%run_scoped3A_27, %dma_wait3A_83] : memref<3x128xi32, #tpu.memory_space<vmem>> -> memref<1x128xi32, #tpu.memory_space<vmem>>
        %dma_wait3A_85 = tpu.memref_squeeze %dma_wait3A_84 : memref<1x128xi32, #tpu.memory_space<vmem>> -> memref<128xi32, #tpu.memory_space<vmem>>
        %dma_wait3A_86 = tpu.memref_slice %arg2[%add3A_26] : memref<160000xi32, #tpu.memory_space<hbm>> -> memref<128xi32, #tpu.memory_space<hbm>>
        %dma_wait3A_87 = arith.constant 0 : i32
        %dma_wait3A_88 = tpu.memref_slice %arg7[%run_scoped3A_27, %dma_wait3A_87] : memref<3x128xi32, #tpu.memory_space<vmem>> -> memref<1x128xi32, #tpu.memory_space<vmem>>
        %dma_wait3A_89 = tpu.memref_squeeze %dma_wait3A_88 : memref<1x128xi32, #tpu.memory_space<vmem>> -> memref<128xi32, #tpu.memory_space<vmem>>
        %dma_wait3A_90 = tpu.memref_slice %arg2[%add3A_26] : memref<160000xi32, #tpu.memory_space<hbm>> -> memref<128xi32, #tpu.memory_space<hbm>>
        tpu.wait_dma2 semaphore(%run_scoped3A_74 : memref<!tpu.dma_semaphore, #tpu.memory_space<semaphore_mem>>) src(%dma_wait3A_90 : memref<128xi32, #tpu.memory_space<hbm>>) dst(%dma_wait3A_89 : memref<128xi32, #tpu.memory_space<vmem>>)
        tpu.yield
      }) : () -> ()
      %add3A_28 = arith.constant 128 : i32
      %add3A_29 = arith.addi %add3A_24, %add3A_28 : i32
      %run_scoped3A_30 = arith.constant 1 : i32
      "tpu.region"() ({
        %run_scoped3A_74 = tpu.sem_alloc : memref<!tpu.dma_semaphore, #tpu.memory_space<semaphore_mem>>
        %dma_start3A_75 = arith.constant 0 : i32
        %dma_start3A_76 = tpu.memref_slice %arg7[%run_scoped3A_30, %dma_start3A_75] : memref<3x128xi32, #tpu.memory_space<vmem>> -> memref<1x128xi32, #tpu.memory_space<vmem>>
        %dma_start3A_77 = tpu.memref_squeeze %dma_start3A_76 : memref<1x128xi32, #tpu.memory_space<vmem>> -> memref<128xi32, #tpu.memory_space<vmem>>
        %dma_start3A_78 = tpu.memref_slice %arg2[%add3A_29] : memref<160000xi32, #tpu.memory_space<hbm>> -> memref<128xi32, #tpu.memory_space<hbm>>
        %dma_start3A_79 = arith.constant 0 : i32
        %dma_start3A_80 = tpu.memref_slice %arg7[%run_scoped3A_30, %dma_start3A_79] : memref<3x128xi32, #tpu.memory_space<vmem>> -> memref<1x128xi32, #tpu.memory_space<vmem>>
        %dma_start3A_81 = tpu.memref_squeeze %dma_start3A_80 : memref<1x128xi32, #tpu.memory_space<vmem>> -> memref<128xi32, #tpu.memory_space<vmem>>
        %dma_start3A_82 = tpu.memref_slice %arg2[%add3A_29] : memref<160000xi32, #tpu.memory_space<hbm>> -> memref<128xi32, #tpu.memory_space<hbm>>
        tpu.enqueue_dma source(%dma_start3A_82 : memref<128xi32, #tpu.memory_space<hbm>>) target(%dma_start3A_81 : memref<128xi32, #tpu.memory_space<vmem>>) target_semaphore(%run_scoped3A_74 : memref<!tpu.dma_semaphore, #tpu.memory_space<semaphore_mem>>)
        %dma_wait3A_83 = arith.constant 0 : i32
        %dma_wait3A_84 = tpu.memref_slice %arg7[%run_scoped3A_30, %dma_wait3A_83] : memref<3x128xi32, #tpu.memory_space<vmem>> -> memref<1x128xi32, #tpu.memory_space<vmem>>
        %dma_wait3A_85 = tpu.memref_squeeze %dma_wait3A_84 : memref<1x128xi32, #tpu.memory_space<vmem>> -> memref<128xi32, #tpu.memory_space<vmem>>
        %dma_wait3A_86 = tpu.memref_slice %arg2[%add3A_29] : memref<160000xi32, #tpu.memory_space<hbm>> -> memref<128xi32, #tpu.memory_space<hbm>>
        %dma_wait3A_87 = arith.constant 0 : i32
        %dma_wait3A_88 = tpu.memref_slice %arg7[%run_scoped3A_30, %dma_wait3A_87] : memref<3x128xi32, #tpu.memory_space<vmem>> -> memref<1x128xi32, #tpu.memory_space<vmem>>
        %dma_wait3A_89 = tpu.memref_squeeze %dma_wait3A_88 : memref<1x128xi32, #tpu.memory_space<vmem>> -> memref<128xi32, #tpu.memory_space<vmem>>
        %dma_wait3A_90 = tpu.memref_slice %arg2[%add3A_29] : memref<160000xi32, #tpu.memory_space<hbm>> -> memref<128xi32, #tpu.memory_space<hbm>>
        tpu.wait_dma2 semaphore(%run_scoped3A_74 : memref<!tpu.dma_semaphore, #tpu.memory_space<semaphore_mem>>) src(%dma_wait3A_90 : memref<128xi32, #tpu.memory_space<hbm>>) dst(%dma_wait3A_89 : memref<128xi32, #tpu.memory_space<vmem>>)
        tpu.yield
      }) : () -> ()
      %add3A_31 = arith.constant 256 : i32
      %add3A_32 = arith.addi %add3A_24, %add3A_31 : i32
      %run_scoped3A_33 = arith.constant 2 : i32
      "tpu.region"() ({
        %run_scoped3A_74 = tpu.sem_alloc : memref<!tpu.dma_semaphore, #tpu.memory_space<semaphore_mem>>
        %dma_start3A_75 = arith.constant 0 : i32
        %dma_start3A_76 = tpu.memref_slice %arg7[%run_scoped3A_33, %dma_start3A_75] : memref<3x128xi32, #tpu.memory_space<vmem>> -> memref<1x128xi32, #tpu.memory_space<vmem>>
        %dma_start3A_77 = tpu.memref_squeeze %dma_start3A_76 : memref<1x128xi32, #tpu.memory_space<vmem>> -> memref<128xi32, #tpu.memory_space<vmem>>
        %dma_start3A_78 = tpu.memref_slice %arg2[%add3A_32] : memref<160000xi32, #tpu.memory_space<hbm>> -> memref<128xi32, #tpu.memory_space<hbm>>
        %dma_start3A_79 = arith.constant 0 : i32
        %dma_start3A_80 = tpu.memref_slice %arg7[%run_scoped3A_33, %dma_start3A_79] : memref<3x128xi32, #tpu.memory_space<vmem>> -> memref<1x128xi32, #tpu.memory_space<vmem>>
        %dma_start3A_81 = tpu.memref_squeeze %dma_start3A_80 : memref<1x128xi32, #tpu.memory_space<vmem>> -> memref<128xi32, #tpu.memory_space<vmem>>
        %dma_start3A_82 = tpu.memref_slice %arg2[%add3A_32] : memref<160000xi32, #tpu.memory_space<hbm>> -> memref<128xi32, #tpu.memory_space<hbm>>
        tpu.enqueue_dma source(%dma_start3A_82 : memref<128xi32, #tpu.memory_space<hbm>>) target(%dma_start3A_81 : memref<128xi32, #tpu.memory_space<vmem>>) target_semaphore(%run_scoped3A_74 : memref<!tpu.dma_semaphore, #tpu.memory_space<semaphore_mem>>)
        %dma_wait3A_83 = arith.constant 0 : i32
        %dma_wait3A_84 = tpu.memref_slice %arg7[%run_scoped3A_33, %dma_wait3A_83] : memref<3x128xi32, #tpu.memory_space<vmem>> -> memref<1x128xi32, #tpu.memory_space<vmem>>
        %dma_wait3A_85 = tpu.memref_squeeze %dma_wait3A_84 : memref<1x128xi32, #tpu.memory_space<vmem>> -> memref<128xi32, #tpu.memory_space<vmem>>
        %dma_wait3A_86 = tpu.memref_slice %arg2[%add3A_32] : memref<160000xi32, #tpu.memory_space<hbm>> -> memref<128xi32, #tpu.memory_space<hbm>>
        %dma_wait3A_87 = arith.constant 0 : i32
        %dma_wait3A_88 = tpu.memref_slice %arg7[%run_scoped3A_33, %dma_wait3A_87] : memref<3x128xi32, #tpu.memory_space<vmem>> -> memref<1x128xi32, #tpu.memory_space<vmem>>
        %dma_wait3A_89 = tpu.memref_squeeze %dma_wait3A_88 : memref<1x128xi32, #tpu.memory_space<vmem>> -> memref<128xi32, #tpu.memory_space<vmem>>
        %dma_wait3A_90 = tpu.memref_slice %arg2[%add3A_32] : memref<160000xi32, #tpu.memory_space<hbm>> -> memref<128xi32, #tpu.memory_space<hbm>>
        tpu.wait_dma2 semaphore(%run_scoped3A_74 : memref<!tpu.dma_semaphore, #tpu.memory_space<semaphore_mem>>) src(%dma_wait3A_90 : memref<128xi32, #tpu.memory_space<hbm>>) dst(%dma_wait3A_89 : memref<128xi32, #tpu.memory_space<vmem>>)
        tpu.yield
      }) : () -> ()
      %dma_start3A = arith.constant 0 : i32
      %dma_start3A_34 = arith.constant 0 : i32
      %dma_start3A_35 = tpu.memref_slice %arg7[%dma_start3A, %dma_start3A_34] : memref<3x128xi32, #tpu.memory_space<vmem>> -> memref<1x128xi32, #tpu.memory_space<vmem>>
      %dma_start3A_36 = tpu.memref_squeeze %dma_start3A_35 : memref<1x128xi32, #tpu.memory_space<vmem>> -> memref<128xi32, #tpu.memory_space<vmem>>
      %dma_start3A_37 = arith.constant 0 : i32
      %dma_start3A_38 = arith.constant 0 : i32
      %dma_start3A_39 = tpu.memref_slice %arg6[%dma_start3A_37, %dma_start3A_38] : memref<10240x128xf32, #tpu.memory_space<vmem_shared>> -> memref<10240x128xf32, #tpu.memory_space<vmem_shared>>
      tpu.enqueue_indirect_dma source(%arg9 : memref<128x128xf32, #tpu.memory_space<vmem>>) target(%dma_start3A_39 : memref<10240x128xf32, #tpu.memory_space<vmem_shared>>) offsets(%dma_start3A_36 : memref<128xi32, #tpu.memory_space<vmem>>) semaphore(%arg10 : memref<!tpu.dma_semaphore, #tpu.memory_space<semaphore_mem>>) {add = true}
      %dma_start3A_40 = arith.constant 1 : i32
      %dma_start3A_41 = arith.constant 0 : i32
      %dma_start3A_42 = tpu.memref_slice %arg7[%dma_start3A_40, %dma_start3A_41] : memref<3x128xi32, #tpu.memory_space<vmem>> -> memref<1x128xi32, #tpu.memory_space<vmem>>
      %dma_start3A_43 = tpu.memref_squeeze %dma_start3A_42 : memref<1x128xi32, #tpu.memory_space<vmem>> -> memref<128xi32, #tpu.memory_space<vmem>>
      %dma_start3A_44 = arith.constant 0 : i32
      %dma_start3A_45 = arith.constant 0 : i32
      %dma_start3A_46 = tpu.memref_slice %arg6[%dma_start3A_44, %dma_start3A_45] : memref<10240x128xf32, #tpu.memory_space<vmem_shared>> -> memref<10240x128xf32, #tpu.memory_space<vmem_shared>>
      tpu.enqueue_indirect_dma source(%arg9 : memref<128x128xf32, #tpu.memory_space<vmem>>) target(%dma_start3A_46 : memref<10240x128xf32, #tpu.memory_space<vmem_shared>>) offsets(%dma_start3A_43 : memref<128xi32, #tpu.memory_space<vmem>>) semaphore(%arg10 : memref<!tpu.dma_semaphore, #tpu.memory_space<semaphore_mem>>) {add = true}
      %dma_start3A_47 = arith.constant 2 : i32
      %dma_start3A_48 = arith.constant 0 : i32
      %dma_start3A_49 = tpu.memref_slice %arg7[%dma_start3A_47, %dma_start3A_48] : memref<3x128xi32, #tpu.memory_space<vmem>> -> memref<1x128xi32, #tpu.memory_space<vmem>>
      %dma_start3A_50 = tpu.memref_squeeze %dma_start3A_49 : memref<1x128xi32, #tpu.memory_space<vmem>> -> memref<128xi32, #tpu.memory_space<vmem>>
      %dma_start3A_51 = arith.constant 0 : i32
      %dma_start3A_52 = arith.constant 0 : i32
      %dma_start3A_53 = tpu.memref_slice %arg6[%dma_start3A_51, %dma_start3A_52] : memref<10240x128xf32, #tpu.memory_space<vmem_shared>> -> memref<10240x128xf32, #tpu.memory_space<vmem_shared>>
      tpu.enqueue_indirect_dma source(%arg9 : memref<128x128xf32, #tpu.memory_space<vmem>>) target(%dma_start3A_53 : memref<10240x128xf32, #tpu.memory_space<vmem_shared>>) offsets(%dma_start3A_50 : memref<128xi32, #tpu.memory_space<vmem>>) semaphore(%arg10 : memref<!tpu.dma_semaphore, #tpu.memory_space<semaphore_mem>>) {add = true}
      %dma_wait3A = arith.constant 0 : i32
      %dma_wait3A_54 = arith.constant 0 : i32
      %dma_wait3A_55 = tpu.memref_slice %arg7[%dma_wait3A, %dma_wait3A_54] : memref<3x128xi32, #tpu.memory_space<vmem>> -> memref<1x128xi32, #tpu.memory_space<vmem>>
      %dma_wait3A_56 = tpu.memref_squeeze %dma_wait3A_55 : memref<1x128xi32, #tpu.memory_space<vmem>> -> memref<128xi32, #tpu.memory_space<vmem>>
      %dma_wait3A_57 = arith.constant 0 : i32
      %dma_wait3A_58 = arith.constant 0 : i32
      %dma_wait3A_59 = tpu.memref_slice %arg6[%dma_wait3A_57, %dma_wait3A_58] : memref<10240x128xf32, #tpu.memory_space<vmem_shared>> -> memref<10240x128xf32, #tpu.memory_space<vmem_shared>>
      tpu.wait_indirect_dma semaphore(%arg10 : memref<!tpu.dma_semaphore, #tpu.memory_space<semaphore_mem>>) src(%arg9 : memref<128x128xf32, #tpu.memory_space<vmem>>) dst(%dma_wait3A_59 : memref<10240x128xf32, #tpu.memory_space<vmem_shared>>)
      %dma_wait3A_60 = arith.constant 1 : i32
      %dma_wait3A_61 = arith.constant 0 : i32
      %dma_wait3A_62 = tpu.memref_slice %arg7[%dma_wait3A_60, %dma_wait3A_61] : memref<3x128xi32, #tpu.memory_space<vmem>> -> memref<1x128xi32, #tpu.memory_space<vmem>>
      %dma_wait3A_63 = tpu.memref_squeeze %dma_wait3A_62 : memref<1x128xi32, #tpu.memory_space<vmem>> -> memref<128xi32, #tpu.memory_space<vmem>>
      %dma_wait3A_64 = arith.constant 0 : i32
      %dma_wait3A_65 = arith.constant 0 : i32
      %dma_wait3A_66 = tpu.memref_slice %arg6[%dma_wait3A_64, %dma_wait3A_65] : memref<10240x128xf32, #tpu.memory_space<vmem_shared>> -> memref<10240x128xf32, #tpu.memory_space<vmem_shared>>
      tpu.wait_indirect_dma semaphore(%arg10 : memref<!tpu.dma_semaphore, #tpu.memory_space<semaphore_mem>>) src(%arg9 : memref<128x128xf32, #tpu.memory_space<vmem>>) dst(%dma_wait3A_66 : memref<10240x128xf32, #tpu.memory_space<vmem_shared>>)
      %dma_wait3A_67 = arith.constant 2 : i32
      %dma_wait3A_68 = arith.constant 0 : i32
      %dma_wait3A_69 = tpu.memref_slice %arg7[%dma_wait3A_67, %dma_wait3A_68] : memref<3x128xi32, #tpu.memory_space<vmem>> -> memref<1x128xi32, #tpu.memory_space<vmem>>
      %dma_wait3A_70 = tpu.memref_squeeze %dma_wait3A_69 : memref<1x128xi32, #tpu.memory_space<vmem>> -> memref<128xi32, #tpu.memory_space<vmem>>
      %dma_wait3A_71 = arith.constant 0 : i32
      %dma_wait3A_72 = arith.constant 0 : i32
      %dma_wait3A_73 = tpu.memref_slice %arg6[%dma_wait3A_71, %dma_wait3A_72] : memref<10240x128xf32, #tpu.memory_space<vmem_shared>> -> memref<10240x128xf32, #tpu.memory_space<vmem_shared>>
      tpu.wait_indirect_dma semaphore(%arg10 : memref<!tpu.dma_semaphore, #tpu.memory_space<semaphore_mem>>) src(%arg9 : memref<128x128xf32, #tpu.memory_space<vmem>>) dst(%dma_wait3A_73 : memref<10240x128xf32, #tpu.memory_space<vmem_shared>>)
    }
    %scan3A_8 = arith.constant 13 : i32
    %add3A_9 = arith.constant 4992 : i32
    %add3A_10 = arith.addi %mul3A_2, %add3A_9 : i32
    %run_scoped3A = arith.constant 0 : i32
    "tpu.region"() ({
      %run_scoped3A_17 = tpu.sem_alloc : memref<!tpu.dma_semaphore, #tpu.memory_space<semaphore_mem>>
      %dma_start3A = arith.constant 0 : i32
      %dma_start3A_18 = tpu.memref_slice %arg8[%run_scoped3A, %dma_start3A] : memref<1x8xi32, #tpu.memory_space<vmem>> -> memref<1x8xi32, #tpu.memory_space<vmem>>
      %dma_start3A_19 = tpu.memref_squeeze %dma_start3A_18 : memref<1x8xi32, #tpu.memory_space<vmem>> -> memref<8xi32, #tpu.memory_space<vmem>>
      %dma_start3A_20 = tpu.memref_slice %arg2[%add3A_10] : memref<160000xi32, #tpu.memory_space<hbm>> -> memref<8xi32, #tpu.memory_space<hbm>>
      %dma_start3A_21 = arith.constant 0 : i32
      %dma_start3A_22 = tpu.memref_slice %arg8[%run_scoped3A, %dma_start3A_21] : memref<1x8xi32, #tpu.memory_space<vmem>> -> memref<1x8xi32, #tpu.memory_space<vmem>>
      %dma_start3A_23 = tpu.memref_squeeze %dma_start3A_22 : memref<1x8xi32, #tpu.memory_space<vmem>> -> memref<8xi32, #tpu.memory_space<vmem>>
      %dma_start3A_24 = tpu.memref_slice %arg2[%add3A_10] : memref<160000xi32, #tpu.memory_space<hbm>> -> memref<8xi32, #tpu.memory_space<hbm>>
      tpu.enqueue_dma source(%dma_start3A_24 : memref<8xi32, #tpu.memory_space<hbm>>) target(%dma_start3A_23 : memref<8xi32, #tpu.memory_space<vmem>>) target_semaphore(%run_scoped3A_17 : memref<!tpu.dma_semaphore, #tpu.memory_space<semaphore_mem>>)
      %dma_wait3A = arith.constant 0 : i32
      %dma_wait3A_25 = tpu.memref_slice %arg8[%run_scoped3A, %dma_wait3A] : memref<1x8xi32, #tpu.memory_space<vmem>> -> memref<1x8xi32, #tpu.memory_space<vmem>>
      %dma_wait3A_26 = tpu.memref_squeeze %dma_wait3A_25 : memref<1x8xi32, #tpu.memory_space<vmem>> -> memref<8xi32, #tpu.memory_space<vmem>>
      %dma_wait3A_27 = tpu.memref_slice %arg2[%add3A_10] : memref<160000xi32, #tpu.memory_space<hbm>> -> memref<8xi32, #tpu.memory_space<hbm>>
      %dma_wait3A_28 = arith.constant 0 : i32
      %dma_wait3A_29 = tpu.memref_slice %arg8[%run_scoped3A, %dma_wait3A_28] : memref<1x8xi32, #tpu.memory_space<vmem>> -> memref<1x8xi32, #tpu.memory_space<vmem>>
      %dma_wait3A_30 = tpu.memref_squeeze %dma_wait3A_29 : memref<1x8xi32, #tpu.memory_space<vmem>> -> memref<8xi32, #tpu.memory_space<vmem>>
      %dma_wait3A_31 = tpu.memref_slice %arg2[%add3A_10] : memref<160000xi32, #tpu.memory_space<hbm>> -> memref<8xi32, #tpu.memory_space<hbm>>
      tpu.wait_dma2 semaphore(%run_scoped3A_17 : memref<!tpu.dma_semaphore, #tpu.memory_space<semaphore_mem>>) src(%dma_wait3A_31 : memref<8xi32, #tpu.memory_space<hbm>>) dst(%dma_wait3A_30 : memref<8xi32, #tpu.memory_space<vmem>>)
      tpu.yield
    }) : () -> ()
    %run_scoped3A_11 = arith.constant 0 : i32
    "tpu.region"() ({
      %run_scoped3A_17 = tpu.sem_alloc : memref<!tpu.dma_semaphore, #tpu.memory_space<semaphore_mem>>
      %dma_start3A = arith.constant 0 : i32
      %dma_start3A_18 = arith.constant 0 : i32
      %dma_start3A_19 = tpu.memref_slice %arg9[%dma_start3A, %dma_start3A_18] : memref<128x128xf32, #tpu.memory_space<vmem>> -> memref<8x128xf32, #tpu.memory_space<vmem>>
      %dma_start3A_20 = arith.constant 0 : i32
      %dma_start3A_21 = tpu.memref_slice %arg8[%run_scoped3A_11, %dma_start3A_20] : memref<1x8xi32, #tpu.memory_space<vmem>> -> memref<1x8xi32, #tpu.memory_space<vmem>>
      %dma_start3A_22 = tpu.memref_squeeze %dma_start3A_21 : memref<1x8xi32, #tpu.memory_space<vmem>> -> memref<8xi32, #tpu.memory_space<vmem>>
      %dma_start3A_23 = arith.constant 0 : i32
      %dma_start3A_24 = arith.constant 0 : i32
      %dma_start3A_25 = tpu.memref_slice %arg6[%dma_start3A_23, %dma_start3A_24] : memref<10240x128xf32, #tpu.memory_space<vmem_shared>> -> memref<10240x128xf32, #tpu.memory_space<vmem_shared>>
      tpu.enqueue_indirect_dma source(%dma_start3A_19 : memref<8x128xf32, #tpu.memory_space<vmem>>) target(%dma_start3A_25 : memref<10240x128xf32, #tpu.memory_space<vmem_shared>>) offsets(%dma_start3A_22 : memref<8xi32, #tpu.memory_space<vmem>>) semaphore(%run_scoped3A_17 : memref<!tpu.dma_semaphore, #tpu.memory_space<semaphore_mem>>) {add = true}
      %dma_wait3A = arith.constant 0 : i32
      %dma_wait3A_26 = arith.constant 0 : i32
      %dma_wait3A_27 = tpu.memref_slice %arg9[%dma_wait3A, %dma_wait3A_26] : memref<128x128xf32, #tpu.memory_space<vmem>> -> memref<8x128xf32, #tpu.memory_space<vmem>>
      %dma_wait3A_28 = arith.constant 0 : i32
      %dma_wait3A_29 = tpu.memref_slice %arg8[%run_scoped3A_11, %dma_wait3A_28] : memref<1x8xi32, #tpu.memory_space<vmem>> -> memref<1x8xi32, #tpu.memory_space<vmem>>
      %dma_wait3A_30 = tpu.memref_squeeze %dma_wait3A_29 : memref<1x8xi32, #tpu.memory_space<vmem>> -> memref<8xi32, #tpu.memory_space<vmem>>
      %dma_wait3A_31 = arith.constant 0 : i32
      %dma_wait3A_32 = arith.constant 0 : i32
      %dma_wait3A_33 = tpu.memref_slice %arg6[%dma_wait3A_31, %dma_wait3A_32] : memref<10240x128xf32, #tpu.memory_space<vmem_shared>> -> memref<10240x128xf32, #tpu.memory_space<vmem_shared>>
      tpu.wait_indirect_dma semaphore(%run_scoped3A_17 : memref<!tpu.dma_semaphore, #tpu.memory_space<semaphore_mem>>) src(%dma_wait3A_27 : memref<8x128xf32, #tpu.memory_space<vmem>>) dst(%dma_wait3A_33 : memref<10240x128xf32, #tpu.memory_space<vmem_shared>>)
      tpu.yield
    }) : () -> ()
    %barrier3A_12 = arith.constant 0 : index
    tpu.barrier barrier_id(%barrier3A_12)
    %mul3A_13 = arith.constant 640 : i32
    %mul3A_14 = arith.muli %arg1, %mul3A_13 : i32
    %mul3A_15 = arith.constant 640 : i32
    %mul3A_16 = arith.muli %arg1, %mul3A_15 : i32
    "tpu.region"() ({
      %run_scoped3A_17 = tpu.sem_alloc : memref<!tpu.dma_semaphore, #tpu.memory_space<semaphore_mem>>
      %dma_start3A = arith.constant 0 : i32
      %dma_start3A_18 = tpu.memref_slice %arg5[%arg0, %mul3A_16, %dma_start3A] : memref<2x10240x128xf32, #tpu.memory_space<hbm>> -> memref<1x640x128xf32, #tpu.memory_space<hbm>>
      %dma_start3A_19 = tpu.memref_squeeze %dma_start3A_18 : memref<1x640x128xf32, #tpu.memory_space<hbm>> -> memref<640x128xf32, #tpu.memory_space<hbm>>
      %dma_start3A_20 = arith.constant 0 : i32
      %dma_start3A_21 = tpu.memref_slice %arg6[%mul3A_14, %dma_start3A_20] : memref<10240x128xf32, #tpu.memory_space<vmem_shared>> -> memref<640x128xf32, #tpu.memory_space<vmem_shared>>
      tpu.enqueue_dma source(%dma_start3A_21 : memref<640x128xf32, #tpu.memory_space<vmem_shared>>) target(%dma_start3A_19 : memref<640x128xf32, #tpu.memory_space<hbm>>) target_semaphore(%run_scoped3A_17 : memref<!tpu.dma_semaphore, #tpu.memory_space<semaphore_mem>>)
      %dma_wait3A = arith.constant 0 : i32
      %dma_wait3A_22 = tpu.memref_slice %arg5[%arg0, %mul3A_16, %dma_wait3A] : memref<2x10240x128xf32, #tpu.memory_space<hbm>> -> memref<1x640x128xf32, #tpu.memory_space<hbm>>
      %dma_wait3A_23 = tpu.memref_squeeze %dma_wait3A_22 : memref<1x640x128xf32, #tpu.memory_space<hbm>> -> memref<640x128xf32, #tpu.memory_space<hbm>>
      %dma_wait3A_24 = arith.constant 0 : i32
      %dma_wait3A_25 = tpu.memref_slice %arg6[%mul3A_14, %dma_wait3A_24] : memref<10240x128xf32, #tpu.memory_space<vmem_shared>> -> memref<640x128xf32, #tpu.memory_space<vmem_shared>>
      tpu.wait_dma2 semaphore(%run_scoped3A_17 : memref<!tpu.dma_semaphore, #tpu.memory_space<semaphore_mem>>) src(%dma_wait3A_25 : memref<640x128xf32, #tpu.memory_space<vmem_shared>>) dst(%dma_wait3A_23 : memref<640x128xf32, #tpu.memory_space<hbm>>)
      tpu.yield
    }) : () -> ()
    return
  }
}

</mosaic_0001>

<sc_bundles>
// kernel: _sc_degree.3.cloned.1.call-start
scs
__scs_entry_jumppad:
0x0: {  	(pc) =	sbr.rel $0x88, $3  }
0x1: {  	(tag) =	ssettag $0x0;
	lr =	simm.s32 $0x1  }
0x2: {  	[smem:$0x3F9E] =	sst lr;
	_ =	strace $0xD0000000  }
0x3: {  	_ = 	snop  }
0x4: {  	_ = 	snop  }
0x5: {  	_ = 	snop  }
0x6: {  	_ = 	snop  }
0x7: {  	_ = 	snop  }
__scs_overlays_trampoline_lowered:
0x8: {  	[smem:$0x3FAD] =	sst s0  }
0x9: {  	[smem:$0x3FAE] =	sst s1  }
0xa: {  	[smem:$0x3FAF] =	sst s2  }
0xb: {  	[smem:$0x3FB0] =	sst s3  }
0xc: {  	[smem:$0x3FB1] =	sst s4  }
0xd: {  	[smem:$0x3FB2] =	sst s5  }
0xe: {  	[smem:$0x3FB3] =	sst s6  }
0xf: {  	[smem:$0x3FB4] =	sst s7  }
0x10: {  	[smem:$0x3FB5] =	sst s8  }
0x11: {  	[smem:$0x3FB6] =	sst s9;
	s0 =	simm.s32 @!p0 $0x0  }
0x12: {  	s1 =	sld [smem:$0x3F9C];
	s0 =	simm.s32 @p0 $0x1  }
0x13: {  	[smem:$0x3FB7] =	sst s0;
	s0 =	simm.s32 @!p1 $0x0  }
0x14: {  	s2 =	sld [smem:$0x3F9B];
	s0 =	simm.s32 @p1 $0x1  }
0x15: {  	[smem:$0x3FB8] =	sst s0;
	s0 =	simm.s32 @!p2 $0x0  }
0x16: {  	s3 =	sld [smem:$0x3FDB];
	s0 =	simm.s32 @p2 $0x1  }
0x17: {  	s4 =	simm.s32 $0x1BF5;
	[smem:$0x3FBA] =	sst s0  }
0x18: {  	s0 =	sld [smem:$0x3F9D];
	_ =	swait.ge [sflag:s4], $0x0  }
0x19: {  	s7 =	sld [smem:$0x3F9E]  }
0x1a: {  	s8 =	sadd.s32 $0xFFFFE003, lr  }
0x1b: {  	s9 =	sadd.s32 $0xFFFFFEF7, lr;
	s5 =	simm.s32 $0xFFFFFFFF;
	p2 =	slt.u32 s8, $0xFFFFF086  }
0x1c: {  	p1 =	slt.u32 s9, $0xF7A;
	s5 =	simm.s32 @!p2 $0x0  }
0x1d: {  	s5 =	simm.s32 @p1 $0x1;
	p0 =	seq.s32 s7, s2  }
0x1e: {  	s7 =	smul.u32 @!p0 $0xF7A, s2;
	p2 =	seq.s32 @!p0 s5, $0x0  }
0x1f: {  	s9 =	smul.u32 $0xF7A, s1;
	s8 =	simm.s32 @!p0 $0x1BF5;
	p2 =	por !p2, p0  }
0x20: {  	[sflag:s8] =	ssyncset.s32 @!p0 $0xFFFFF086;
	s6 =	sadd.s32 @!p0 s3, s7;
	s7 =	simm.s32 @!p0 $0x108  }
0x21: {  	s3 =	sadd.s32 s3, s9;
	s6 =	sadd.s32 @!p0 $0x88, s6;
	s7 =	simm.s32 @p2 $0x1082  }
0x22: {  	[simem:s7], [sflag:s8] =	dma.local @!p0 [hbm:s6], $0xF7A  }
0x23: {  	s9 =	sor.u32 $0xD0000000, s2;
	s6 =	simm.s32 $0x108;
	_ =	swait.ge @!p0 [sflag:s8], $0x0  }
0x24: {  	s3 =	sadd.s32 $0x88, s3;
	s6 =	simm.s32 @!p1 $0x1082;
	[sflag:s4] =	ssyncset.s32 $0xFFFFF086  }
0x25: {  	[simem:s6], [sflag:s4] =	dma.local [hbm:s3], $0xF7A  }
0x26: {  	[smem:$0x3F9E] =	sst s1;
	(tag) =	ssettag s2;
	_ =	strace s9  }
0x27: {  	s1 =	sld [smem:$0x3FAE]  }
0x28: {  	s2 =	sld [smem:$0x3FAF]  }
0x29: {  	s4 =	sld [smem:$0x3FB1]  }
0x2a: {  	p0 =	seq.s32 s5, $0x0;
	s5 =	sld [smem:$0x3FB2]  }
0x2b: {  	s6 =	sld [smem:$0x3FB3]  }
0x2c: {  	s7 =	sld [smem:$0x3FB4]  }
0x2d: {  	s3 =	simm.s32 $0x108;
	s8 =	sld [smem:$0x3FB5]  }
0x2e: {  	s3 =	simm.s32 @!p0 $0x1082;
	s9 =	sld [smem:$0x3FB6]  }
0x2f: {  	lr =	sadd.s32 s0, s3;
	s0 =	sld [smem:$0x3FAD]  }
0x30: {  	s3 =	sld [smem:$0x3FB0]  }
0x31: {  	[smem:$0x3FB9] =	sst s10  }
0x32: {  	s10 =	sld [smem:$0x3FB7];
	_ =	sdelay $0x3  }
0x33: {  	p0 =	seq.s32 s10, $0x1;
	s10 =	sld [smem:$0x3FB9];
	_ =	sdelay $0x3  }
0x34: {  	[smem:$0x3FB9] =	sst s10  }
0x35: {  	s10 =	sld [smem:$0x3FB8];
	_ =	sdelay $0x3  }
0x36: {  	p1 =	seq.s32 s10, $0x1;
	s10 =	sld [smem:$0x3FB9];
	_ =	sdelay $0x3  }
0x37: {  	[smem:$0x3FB9] =	sst s10  }
0x38: {  	s10 =	sld [smem:$0x3FBA]  }
0x39: {  	_ = 	snop;
	(pc) =	sbr.ind lr, $3  }
0x3a: {  	_ = 	snop  }
0x3b: {  	_ = 	snop  }
0x3c: {  	p2 =	seq.s32 s10, $0x1;
	s10 =	sld [smem:$0x3FB9]  }
0x3d: {  	_ =	shalt  }
0x3e: {  	_ =	shalt  }
0x3f: {  	_ =	shalt  }
0x40: {  	_ =	shalt  }
0x41: {  	_ =	shalt  }
0x42: {  	_ =	shalt  }
0x43: {  	_ =	shalt  }
0x44: {  	_ =	shalt  }
0x45: {  	_ =	shalt  }
0x46: {  	_ =	shalt  }
0x47: {  	_ =	shalt  }
0x48: {  	_ =	shalt  }
0x49: {  	_ =	shalt  }
0x4a: {  	_ =	shalt  }
0x4b: {  	_ =	shalt  }
0x4c: {  	_ =	shalt  }
0x4d: {  	_ =	shalt  }
0x4e: {  	_ =	shalt  }
0x4f: {  	_ =	shalt  }
0x50: {  	_ =	shalt  }
0x51: {  	_ =	shalt  }
0x52: {  	_ =	shalt  }
0x53: {  	_ =	shalt  }
0x54: {  	_ =	shalt  }
0x55: {  	_ =	shalt  }
0x56: {  	_ =	shalt  }
0x57: {  	_ =	shalt  }
0x58: {  	_ =	shalt  }
0x59: {  	_ =	shalt  }
0x5a: {  	_ =	shalt  }
0x5b: {  	_ =	shalt  }
0x5c: {  	_ =	shalt  }
0x5d: {  	_ =	shalt  }
0x5e: {  	_ =	shalt  }
0x5f: {  	_ =	shalt  }
0x60: {  	_ =	shalt  }
0x61: {  	_ =	shalt  }
0x62: {  	_ =	shalt  }
0x63: {  	_ =	shalt  }
0x64: {  	_ =	shalt  }
0x65: {  	_ =	shalt  }
0x66: {  	_ =	shalt  }
0x67: {  	_ =	shalt  }
0x68: {  	_ =	shalt  }
0x69: {  	_ =	shalt  }
0x6a: {  	_ =	shalt  }
0x6b: {  	_ =	shalt  }
0x6c: {  	_ =	shalt  }
0x6d: {  	_ =	shalt  }
0x6e: {  	_ =	shalt  }
0x6f: {  	_ =	shalt  }
0x70: {  	_ =	shalt  }
0x71: {  	_ =	shalt  }
0x72: {  	_ =	shalt  }
0x73: {  	_ =	shalt  }
0x74: {  	_ =	shalt  }
0x75: {  	_ =	shalt  }
0x76: {  	_ =	shalt  }
0x77: {  	_ =	shalt  }
0x78: {  	_ =	shalt  }
0x79: {  	_ =	shalt  }
0x7a: {  	_ =	shalt  }
0x7b: {  	_ =	shalt  }
0x7c: {  	_ =	shalt  }
0x7d: {  	_ =	shalt  }
0x7e: {  	_ =	shalt  }
0x7f: {  	_ =	shalt  }
0x80: {  	_ =	shalt  }
0x81: {  	_ =	shalt  }
0x82: {  	_ =	shalt  }
0x83: {  	_ =	shalt  }
0x84: {  	_ =	shalt  }
0x85: {  	_ =	shalt  }
0x86: {  	_ =	shalt  }
0x87: {  	_ =	shalt  }
.Lfunc_end0:
.L_simem_size_0:
called_computation_lowered:
.L_overlay_start_0:
0x88: {  	s2 =	sld [smem:$0x3FD9]  }
0x89: {  	s3 =	sld [smem:$0x3FFE];
	_ =	sdelay $0x1  }
0x8a: {  	s1 =	srdreg.scid  }
0x8b: {  	s0 =	sand.u32 $0x1, s1  }
0x8c: {  	s18 =	sshll.u32 s0, $0xA;
	s2 =	sadd.s32 s3, s2  }
0x8d: {  	s2 =	sadd.s32 s2, s18  }
0x8e: {  	[smem:$0x3FC5] =	sst s2  }
0x8f: {  	_ = 	snop  }
0x90: {  	s2 =	sld [smem:$0x3FC9]  }
0x91: {  	s19 =	sld [smem:$0x3FC8]  }
0x92: {  	s4 =	sld [smem:$0x3FC7]  }
0x93: {  	s5 =	sld [smem:$0x3FD0];
	(tm) =	ssettm $0x1  }
0x94: {  	s6 =	sld [smem:$0x3FFB];
	_ =	sdelay $0x3  }
0x95: {  	_ =	strace s6  }
0x96: {  	s6 =	sld [smem:$0x3FFC];
	_ =	sdelay $0x3  }
0x97: {  	_ =	strace s6  }
0x98: {  	s6 =	sld [smem:$0x3FFD];
	_ =	sdelay $0x3  }
0x99: {  	_ =	strace s6  }
0x9a: {  	_ =	strace $0x8FFFFFFF  }
0x9b: {  	s20 =	sld [smem:$0x3FDB];
	_ =	sdelay $0x1  }
0x9c: {  	s7 =	simm.s32 $_scs_section_size  }
0x9d: {  	s8 =	simm.s32 $_size__tile_overlayer_lowered;
	s9 =	simm.s32 $_tile_overlayer_lowered  }
0x9e: {  	s23 =	simm.s32 $0x1BFF;
	s22 =	sshll.u32 s9, $0x1;
	s6 =	sadd.s32 s7, s20  }
0x9f: {  	s10 =	simm.s32 $0x0;
	s21 =	sshll.u32 s8, $0x1;
	s8 =	sadd.s32 s22, s6  }
0xa0: {  	[timem:s10], [sflag:s23] =	dma.local [hbm:s8], s21  }
0xa1: {  	_ =	swait.ge [sflag:s23], s21  }
0xa2: {  	s7 =	ssub.s32 $0x0, s21;
	[sflag:s23] =	ssyncset.done $0x0  }
0xa3: {  	[sflag:s23] =	ssyncadd.s32 s7;
	_ =	sdelay $0x1  }
0xa4: {  	s24 =	simm.s32 $0x1B8B  }
0xa5: {  	_ =	swait.ge [sflag:s24], $0x1  }
0xa6: {  	[sflag:s24] =	ssyncset.done $0x0  }
0xa7: {  	s25 =	simm.s32 $0x1B8E;
	[sflag:s24] =	ssyncadd.s32 $0xFFFFFFFF  }
0xa8: {  	s26 =	simm.s32 $execute0_lowered;
	[smem:$0x3FD2] =	sst s25  }
0xa9: {  	s7 =	sshll.u32 s26, $0x1;
	_ =	strace $0x80000046;
	[dreg:$0x1] =	wrdreg $0xFFFFFFFF  }
0xaa: {  	s28 =	simm.s32 $_size_execute0_lowered;
	s6 =	sadd.s32 s6, s7;
	[dreg:$0x0] =	wrdreg $0x0  }
0xab: {  	s7 =	sshll.u32 s28, $0x1;
	[dreg:$0x2] =	wrdreg s6  }
0xac: {  	[dreg:$0x3] =	wrdreg s7  }
0xad: {  	[dreg:$0x4] =	wrdreg $0xC0  }
0xae: {  	_ =	task [dreg:s10], $0x5FFFF  }
0xaf: {  	[dreg:$0x1] =	wrdreg $0xFFFFFFFF  }
0xb0: {  	[dreg:$0x0] =	wrdreg $0x60  }
0xb1: {  	[dreg:$0x2] =	wrdreg s2  }
0xb2: {  	[dreg:$0x3] =	wrdreg s19  }
0xb3: {  	[dreg:$0x4] =	wrdreg s4  }
0xb4: {  	[dreg:$0x5] =	wrdreg s5  }
0xb5: {  	[dreg:$0x6] =	wrdreg $0x0  }
0xb6: {  	[dreg:$0x7] =	wrdreg $0x9  }
0xb7: {  	_ =	task.clear_ibuf [dreg:s10], $0x8FFFF;
	_ =	strace $0x90000046  }
0xb8: {  	s29 =	simm.s32 $0x9;
	_ =	strace $0x80000048  }
0xb9: {  	_ =	swait.ge [sflag:s29], $0x1  }
0xba: {  	[sflag:s29] =	ssyncadd.s32 $0xFFFFFFFF  }
0xbb: {  	_ =	strace $0x90000048  }
0xbc: {  	_ =	sfence  }
0xbd: {  	s30 =	sld [smem:$0x0];
	_ =	sdelay $0x2  }
0xbe: {  	s31 =	sshll.u32 s1, $0xD;
	s1 =	sshrl.u32 s1, $0x2  }
0xbf: {  	s3 =	sand.u32 $0x4000, s31;
	s1 =	sadd.s32 s1, s30  }
0xc0: {  	s0 =	sor.u32 s3, s0;
	s1 =	sshll.u32 s1, $0x11  }
0xc1: {  	s0 =	sor.u32 s1, s0  }
0xc2: {  	s0 =	sadd.s32 $0x8F2B, s0  }
0xc3: {  	[sflag:s0] =	ssyncadd.remote.s32 $0x1  }
0xc4: {  	_ =	sfence.sel $0xFFFF  }
0xc5: {  	[dreg:$0x0] =	wrdreg $0xFFFFFFFF;
	(pc) =	sbr.abs _section_cstart, $3  }
0xc6: {  	[dreg:$0x1] =	wrdreg $0xFFFFFFFF  }
0xc7: {  	_ =	task.clear_ibuf [dreg:s10], $0x2FFFF;
	_ =	strace $0x9FFFFFFF  }
0xc8: {  	(tm) =	ssettm $0x7FFFFFFF  }
0xc9: {  	_ =	shalt  }
tec
execute0_lowered:
.L_overlay_start_1:
0x0: {  	(tag) =	ssettag $0x1  }
0x1: {  	s12 =	rddreg [dreg:$0x0]  }
0x2: {  	s1 =	rddreg [dreg:$0x1]  }
0x3: {  	s2 =	rddreg [dreg:$0x2];
	s3 =	srdreg.scid  }
0x4: {  	s0 =	stileid.u32;
	s8 =	rddreg [dreg:$0x3]  }
0x5: {  	s4 =	rddreg [dreg:$0x4];
	s5 =	simm.s32 $0x0;
	s17 =	simm.s32 $0x14080  }
0x6: {  	s18 =	simm.s32 $0x14100;
	s19 =	simm.s32 $0x80;
	s20 =	simm.s32 $0x1  }
0x7: {  	s21 =	simm.s32 $0x14200;
	s22 =	simm.s32 $0x8;
	s23 =	simm.s32 $0x0  }
0x8: {  	s6 =	sand.u32 $0x1, s3;
	s3 =	rddreg [dreg:$0x5];
	s9 =	smul.u32 $0x50000, s0  }
0x9: {  	s24 =	sshll.u32 s0, $0x1;
	[smem:$0x7FF] =	sst s5;
	s14 =	smul.u32 $0x14000, s0  }
0xa: {  	s26 =	smul.u32 $0x2710, s0;
	s15 =	sshll.u32 s0, $0x6;
	s7 =	sor.u32 s6, s24  }
0xb: {  	_ =	strace $0x80000047;
	s10 =	ssub.s32 $0x2, s6;
	s11 =	smul.u32 $0x140000, s6  }
0xc: {  	s16 =	smul.u32 $0x1388, s6;
	s6 =	sor.u32 $0x1C02, s15;
	s15 =	simm.s32 $0x14280  }
0xd: {  	s7 =	smul.u32 $0x1388, s7;
	s13 =	sshrl.u32 s10, $0x1;
	s9 =	sshrl.u32 s9, $0x2  }
0xe: {  	s10 =	ssub.s32 s10, s13;
	s25 =	sadd.s32 s9, s4;
	s11 =	sadd.s32 s14, s11  }
0xf: {  	s28 =	sadd.s32 s16, s26;
	s16 =	simm.s32 $0x14000;
	s7 =	sshrl.u32 s7, $0x3  }
0x10: {  	s11 =	sshrl.u32 s11, $0x3;
	s9 =	smax.u32 s10, $0x1;
	s29 =	sadd.s32 $0x100, s28  }
0x11: {  	s30 =	sshrl.u32 s28, $0x3;
	s14 =	sadd.s32 $0x80, s28;
	s13 =	sshrl.u32 s25, $0x3  }
0x12: {  	s7 =	sadd.s32 s12, s7;
	s8 =	sadd.s32 s8, s11;
	s31 =	sshrl.u32 s29, $0x3  }
0x13: {  	s10 =	sadd.s32 s30, s12;
	s14 =	sshrl.u32 s14, $0x3;
	s7 =	sadd.s32 $0x270, s7  }
0x14: {  	s11 =	sadd.s32 s31, s12;
	s12 =	sadd.s32 s14, s12;
	s14 =	simm.s32 $0x2  }
.LBB2_1:
0x15: {  	[spmem:s13], [sflag:s6] =	dma.local [hbm:s2], $0x2800  }
0x16: {  	_ =	swait.ge [sflag:s14], $0x2800  }
0x17: {  	[sflag:s14] =	ssyncset.done $0x0  }
0x18: {  	[sflag:s14] =	ssyncadd.s32 $0xFFFFD800  }
0x19: {  	[tilespmem:s15], [sflag:$0x2] =	stream.linear.gather [hbm4b:s1+s5], $0x4000, $0x38;
	[tilespmem:$0x18280] =	vst v63  }
0x1a: {  	_ =	swait.ge [sflag:s14], $0x4000  }
0x1b: {  	[sflag:s14] =	ssyncset.done $0x0  }
0x1c: {  	[sflag:s14] =	ssyncadd.s32 $0xFFFFC000  }
0x1d: {  	s24 =	sadd.s32 $0x0, s10;
	[bflag:$0x0] =	sbarrier.arrive $0xFFFF  }
0x1e: {  	[tilespmem:s16], [sflag:$0x2] =	stream.linear.gather [hbm4b:s24+s5], $0x80, $0x38;
	[tilespmem:$0x18280] =	vst v63  }
0x1f: {  	_ =	swait.ge [sflag:s14], $0x80  }
0x20: {  	[sflag:s14] =	ssyncset.done $0x0  }
0x21: {  	s30 =	sadd.s32 $0x0, s12;
	[sflag:s14] =	ssyncadd.s32 $0xFFFFFF80  }
0x22: {  	[tilespmem:s17], [sflag:$0x2] =	stream.linear.gather [hbm4b:s30+s5], $0x80, $0x38;
	[tilespmem:$0x18280] =	vst v63  }
0x23: {  	_ =	swait.ge [sflag:s14], $0x80  }
0x24: {  	[sflag:s14] =	ssyncset.done $0x0  }
0x25: {  	s31 =	sadd.s32 $0x0, s11;
	[sflag:s14] =	ssyncadd.s32 $0xFFFFFF80  }
0x26: {  	[tilespmem:s18], [sflag:$0x2] =	stream.linear.gather [hbm4b:s31+s5], $0x80, $0x38;
	[tilespmem:$0x18280] =	vst v63  }
0x27: {  	_ =	swait.ge [sflag:s14], $0x80  }
0x28: {  	[sflag:s14] =	ssyncset.done $0x0  }
0x29: {  	[sflag:s14] =	ssyncadd.s32 $0xFFFFFF80  }
0x2a: {  	[spmem:s4] =	stream.indirect.scatter.add.f32 [tilespmem:s15], [sflag:$0x1], $0x80, s16, s19, $0xb8;
	[tilespmem:$0x18280] =	vst v63  }
0x2b: {  	_ = 	snop  }
0x2c: {  	[spmem:s4] =	stream.indirect.scatter.add.f32 [tilespmem:s15], [sflag:$0x1], $0x80, s17, s19, $0xb8;
	[tilespmem:$0x18280] =	vst v63  }
0x2d: {  	_ = 	snop  }
0x2e: {  	[spmem:s4] =	stream.indirect.scatter.add.f32 [tilespmem:s15], [sflag:$0x1], $0x80, s18, s19, $0xb8;
	[tilespmem:$0x18280] =	vst v63  }
0x2f: {  	_ =	swait.ge [sflag:s20], $0x4000  }
0x30: {  	[sflag:s20] =	ssyncset.done $0x0  }
0x31: {  	[sflag:s20] =	ssyncadd.s32 $0xFFFFC000  }
0x32: {  	_ =	swait.ge [sflag:s20], $0x4000  }
0x33: {  	[sflag:s20] =	ssyncset.done $0x0  }
0x34: {  	[sflag:s20] =	ssyncadd.s32 $0xFFFFC000  }
0x35: {  	_ =	swait.ge [sflag:s20], $0x4000  }
0x36: {  	s25 =	simm.s32 $0x60;
	s24 =	simm.s32 $0x30;
	[sflag:s20] =	ssyncset.done $0x0  }
.LBB2_2:
0x37: {  	s26 =	sadd.s32 s24, s10  }
0x38: {  	[sflag:s20] =	ssyncadd.s32 $0xFFFFC000;
	s28 =	smov.u32 s25;
	s29 =	sadd.s32 $0x30, s25  }
0x39: {  	[tilespmem:s16], [sflag:$0x2] =	stream.linear.gather [hbm4b:s26+s5], $0x80, $0x38;
	[tilespmem:$0x18280] =	vst v63  }
0x3a: {  	p0 =	sne.s32 s25, $0x240;
	_ =	swait.ge [sflag:s14], $0x80  }
0x3b: {  	[sflag:s14] =	ssyncset.done $0x0  }
0x3c: {  	s25 =	sadd.s32 s24, s12;
	[sflag:s14] =	ssyncadd.s32 $0xFFFFFF80  }
0x3d: {  	[tilespmem:s17], [sflag:$0x2] =	stream.linear.gather [hbm4b:s25+s5], $0x80, $0x38;
	[tilespmem:$0x18280] =	vst v63  }
0x3e: {  	_ =	swait.ge [sflag:s14], $0x80  }
0x3f: {  	[sflag:s14] =	ssyncset.done $0x0  }
0x40: {  	s25 =	sadd.s32 s24, s11;
	s24 =	smov.u32 s28;
	[sflag:s14] =	ssyncadd.s32 $0xFFFFFF80  }
0x41: {  	[tilespmem:s18], [sflag:$0x2] =	stream.linear.gather [hbm4b:s25+s5], $0x80, $0x38;
	[tilespmem:$0x18280] =	vst v63  }
0x42: {  	_ =	swait.ge [sflag:s14], $0x80  }
0x43: {  	[sflag:s14] =	ssyncset.done $0x0  }
0x44: {  	[sflag:s14] =	ssyncadd.s32 $0xFFFFFF80  }
0x45: {  	[spmem:s4] =	stream.indirect.scatter.add.f32 [tilespmem:s15], [sflag:$0x1], $0x80, s16, s19, $0xb8;
	[tilespmem:$0x18280] =	vst v63  }
0x46: {  	_ = 	snop  }
0x47: {  	[spmem:s4] =	stream.indirect.scatter.add.f32 [tilespmem:s15], [sflag:$0x1], $0x80, s17, s19, $0xb8;
	[tilespmem:$0x18280] =	vst v63  }
0x48: {  	_ = 	snop  }
0x49: {  	[spmem:s4] =	stream.indirect.scatter.add.f32 [tilespmem:s15], [sflag:$0x1], $0x80, s18, s19, $0xb8;
	[tilespmem:$0x18280] =	vst v63  }
0x4a: {  	_ =	swait.ge [sflag:s20], $0x4000  }
0x4b: {  	[sflag:s20] =	ssyncset.done $0x0  }
0x4c: {  	[sflag:s20] =	ssyncadd.s32 $0xFFFFC000  }
.Ltmp0:
0x4d: {  	_ =	swait.ge [sflag:s20], $0x4000;
	(pc) =	sbr.rel @p0 .LBB2_2-.Ltmp0, $4  }
0x4e: {  	[sflag:s20] =	ssyncset.done $0x0  }
0x4f: {  	[sflag:s20] =	ssyncadd.s32 $0xFFFFC000  }
0x50: {  	_ =	swait.ge [sflag:s20], $0x4000  }
0x51: {  	s25 =	smov.u32 s29;
	[sflag:s20] =	ssyncset.done $0x0  }
0x52: {  	s25 =	sadd.s32 s24, s10;
	[sflag:s20] =	ssyncadd.s32 $0xFFFFC000  }
0x53: {  	[tilespmem:s16], [sflag:$0x2] =	stream.linear.gather [hbm4b:s25+s5], $0x80, $0x38;
	[tilespmem:$0x18280] =	vst v63  }
0x54: {  	_ =	swait.ge [sflag:s14], $0x80  }
0x55: {  	[sflag:s14] =	ssyncset.done $0x0  }
0x56: {  	s30 =	sadd.s32 s24, s12;
	[sflag:s14] =	ssyncadd.s32 $0xFFFFFF80  }
0x57: {  	[tilespmem:s17], [sflag:$0x2] =	stream.linear.gather [hbm4b:s30+s5], $0x80, $0x38;
	[tilespmem:$0x18280] =	vst v63  }
0x58: {  	_ =	swait.ge [sflag:s14], $0x80  }
0x59: {  	[sflag:s14] =	ssyncset.done $0x0  }
0x5a: {  	s31 =	sadd.s32 s24, s11;
	[sflag:s14] =	ssyncadd.s32 $0xFFFFFF80  }
0x5b: {  	[tilespmem:s18], [sflag:$0x2] =	stream.linear.gather [hbm4b:s31+s5], $0x80, $0x38;
	[tilespmem:$0x18280] =	vst v63  }
0x5c: {  	_ =	swait.ge [sflag:s14], $0x80  }
0x5d: {  	[sflag:s14] =	ssyncset.done $0x0  }
0x5e: {  	[sflag:s14] =	ssyncadd.s32 $0xFFFFFF80  }
0x5f: {  	[spmem:s4] =	stream.indirect.scatter.add.f32 [tilespmem:s15], [sflag:$0x1], $0x80, s16, s19, $0xb8;
	[tilespmem:$0x18280] =	vst v63  }
0x60: {  	_ = 	snop  }
0x61: {  	[spmem:s4] =	stream.indirect.scatter.add.f32 [tilespmem:s15], [sflag:$0x1], $0x80, s17, s19, $0xb8;
	[tilespmem:$0x18280] =	vst v63  }
0x62: {  	_ = 	snop  }
0x63: {  	[spmem:s4] =	stream.indirect.scatter.add.f32 [tilespmem:s15], [sflag:$0x1], $0x80, s18, s19, $0xb8;
	[tilespmem:$0x18280] =	vst v63  }
0x64: {  	_ =	swait.ge [sflag:s20], $0x4000  }
0x65: {  	[sflag:s20] =	ssyncset.done $0x0  }
0x66: {  	[sflag:s20] =	ssyncadd.s32 $0xFFFFC000  }
0x67: {  	_ =	swait.ge [sflag:s20], $0x4000  }
0x68: {  	[sflag:s20] =	ssyncset.done $0x0  }
0x69: {  	[sflag:s20] =	ssyncadd.s32 $0xFFFFC000  }
0x6a: {  	_ =	swait.ge [sflag:s20], $0x4000  }
0x6b: {  	[sflag:s20] =	ssyncset.done $0x0  }
0x6c: {  	[sflag:s20] =	ssyncadd.s32 $0xFFFFC000  }
0x6d: {  	[tilespmem:s21], [sflag:$0x2] =	stream.linear.gather [hbm4b:s7+s5], $0x8, $0x38;
	[tilespmem:$0x18280] =	vst v63  }
0x6e: {  	_ =	swait.ge [sflag:s14], $0x8  }
0x6f: {  	[sflag:s14] =	ssyncset.done $0x0  }
0x70: {  	[sflag:s14] =	ssyncadd.s32 $0xFFFFFFF8  }
0x71: {  	[spmem:s4] =	stream.indirect.scatter.add.f32 [tilespmem:s15], [sflag:$0x2], $0x80, s21, s22, $0xb8;
	[tilespmem:$0x18280] =	vst v63  }
0x72: {  	_ =	swait.ge [sflag:s14], $0x400  }
0x73: {  	s23 =	sadd.s32 $0x1, s23;
	[sflag:s14] =	ssyncset.done $0x0  }
0x74: {  	p0 =	sne.s32 s23, s9;
	[sflag:s14] =	ssyncadd.s32 $0xFFFFFC00  }
.Ltmp1:
0x75: {  	[bflag:$0x0] =	sbarrier.arrive $0xFFFF;
	(pc) =	sbr.rel @p0 .LBB2_1-.Ltmp1, $4  }
0x76: {  	[hbm:s8], [sflag:s6] =	dma.local [spmem:s13], $0x2800  }
0x77: {  	_ =	swait.ge [sflag:s14], $0x2800  }
0x78: {  	[sflag:s14] =	ssyncset.done $0x0  }
0x79: {  	[sflag:s14] =	ssyncadd.s32 $0xFFFFD800  }
0x7a: {  	_ =	sfence.sel $0x180000  }
0x7b: {  	[bflag:$0x0] =	sbarrier.arrive $0xFFFF  }
0x7c: {  	p0 =	sne.s32 s0, $0x0;
	_ =	strace $0x90000047  }
0x7d: {  	s0 =	sadd.s32 @!p0 $0x100000, s3;
	[bflag:$0x2] =	sbarrier.arrive $0xFFFF  }
0x7e: {  	[sflag:s0] =	ssyncadd.tile.s32 @!p0 $0x1;
	_ =	shalt  }
.Lfunc_end2:
_tile_overlayer_lowered:
.L_overlay_start_2:
0x7f: {  	(tag) =	ssettag $0x2  }
0x80: {  	s0 =	rddreg [dreg:$0x0];
	s2 =	stileid.u32  }
0x81: {  	s1 =	rddreg [dreg:$0x1];
	p0 =	sne.s32 s2, $0x0  }
0x82: {  	s3 =	rddreg [dreg:$0x2];
	[bflag:$0x3] =	sbarrier.arrive $0xFFFF;
	s2 =	simm.s32 @!p0 $0x1C02  }
0x83: {  	[timem:s3], [sflag:s2] =	dma.local @!p0 [hbm:s0], s1  }
0x84: {  	s0 =	simm.s32 @!p0 $0x2  }
0x85: {  	_ =	swait.ge @!p0 [sflag:s0], s1  }
0x86: {  	s1 =	ssub.s32 @!p0 $0x0, s1;
	[sflag:s0] =	ssyncset.done @!p0 $0x0  }
0x87: {  	[sflag:s0] =	ssyncadd.s32 @!p0 s1  }
0x88: {  	[bflag:$0x3] =	sbarrier.arrive $0xFFFF  }
0x89: {  	_ =	shalt  }

</sc_bundles>
